<compile_context>
chip_gen: v7x
topology: tpu7x:2x2x1
jax: 0.10.2.dev20260603
libtpu: 0.0.44.dev20260713+nightly
codegen_flags: <defaults>
</compile_context>

<pallas_src>
import jax
import jax.numpy as jnp
from jax import lax
from jax.experimental import pallas as pl
from jax.experimental.pallas import tpu as pltpu
from jax.experimental.pallas import tpu_sc as plsc

_NUM_FIELDS = 26
_VOCAB = 100000
_EMBED = 32
_BATCH = 16384

_NC, _NS, _LANES = 2, 16, 16
_NW = _NC * _NS
_BPW = _BATCH // _NW
_CHUNK = 128
_NCHUNK = _BPW // _CHUNK


def _sc_body(gx_hbm, w_hbm, out_hbm, idx_v, rows_v, acc_v, sem):
    wid = lax.axis_index("s") * _NC + lax.axis_index("c")
    base = wid * _BPW

    zeros = jnp.zeros((_LANES,), jnp.float32)

    def zbody(j, carry):
        acc_v[j, pl.ds(0, _LANES)] = zeros
        acc_v[j, pl.ds(_LANES, _LANES)] = zeros
        return carry

    lax.fori_loop(0, _BPW, zbody, None, unroll=8)

    def fbody(i, carry):
        pltpu.sync_copy(gx_hbm.at[i, pl.ds(wid * _NCHUNK, _NCHUNK)], idx_v)
        descs = [
            pltpu.async_copy(
                w_hbm.at[idx_v.at[c]],
                rows_v.at[pl.ds(c * _CHUNK, _CHUNK)],
                sem,
            )
            for c in range(_NCHUNK)
        ]
        for d in descs:
            d.wait()

        def abody(j, c2):
            plsc.addupdate(acc_v.at[j, pl.ds(0, _LANES)],
                           rows_v[j, pl.ds(0, _LANES)])
            plsc.addupdate(acc_v.at[j, pl.ds(_LANES, _LANES)],
                           rows_v[j, pl.ds(_LANES, _LANES)])
            return c2

        lax.fori_loop(0, _BPW, abody, None, unroll=8)
        return carry

    lax.fori_loop(0, _NUM_FIELDS, fbody, None)

    pltpu.sync_copy(acc_v, out_hbm.at[pl.ds(base, _BPW)])


def kernel(x, W):
    offs = jnp.arange(_NUM_FIELDS, dtype=jnp.int32) * _VOCAB
    gx = (x.T + offs[:, None]).reshape(_NUM_FIELDS, _BATCH // _CHUNK, _CHUNK)
    w_flat = W.reshape(_NUM_FIELDS * _VOCAB, _EMBED)
    mesh = plsc.VectorSubcoreMesh(
        core_axis_name="c", subcore_axis_name="s",
        num_cores=_NC, num_subcores=_NS,
    )
    f = pl.kernel(
        _sc_body,
        out_type=jax.ShapeDtypeStruct((_BATCH, _EMBED), jnp.float32),
        mesh=mesh,
        scratch_types=[
            pltpu.VMEM((_NCHUNK, _CHUNK), jnp.int32),
            pltpu.VMEM((_BPW, _EMBED), jnp.float32),
            pltpu.VMEM((_BPW, _EMBED), jnp.float32),
            pltpu.SemaphoreType.DMA,
        ],
        compiler_params=pltpu.CompilerParams(use_tc_tiling_on_sc=False),
    )
    return f(gx, w_flat)

# --- scband reference (transcript-rebuilt; emitter-appended) ---
"""Pipeline reference for scband-mul-onehot-encoder-6725918785922 (READ-ONLY COPY).

The authoritative reference and input builder live on the scoring server;
editing this copy changes nothing except your own understanding.
"""

import jax, jax.numpy as jnp
import numpy as np

NUM_FIELDS = 26
VOCAB = 100000
EMBED_DIM = 32
BATCH = 16384


def setup_inputs(seed: int = 0) -> dict:
    key = jax.random.key(seed)
    kx, kw = jax.random.split(key)
    x = jax.random.randint(kx, (BATCH, NUM_FIELDS), 0, VOCAB, dtype=jnp.int32)
    # xavier_uniform per-table: bound = sqrt(6 / (fan_in + fan_out)) with (vocab, embed_dim)
    bound = float(np.sqrt(6.0 / (VOCAB + EMBED_DIM)))
    W = jax.random.uniform(kw, (NUM_FIELDS, VOCAB, EMBED_DIM), minval=-bound, maxval=bound, dtype=jnp.float32)
    return {"x": x, "W": W}


def reference(x, W):
    # MulOnehotEncoder.forward: sum of per-field embedding lookups
    out = jnp.zeros((x.shape[0], W.shape[-1]), dtype=W.dtype)
    for i in range(x.shape[1]):
        out = out + jnp.take(W[i], x[:, i], axis=0)
    return out

if __name__ == "__main__":
    import jax
    _d = setup_inputs()
    print(jax.jit(kernel)(*tuple(_d.values())))

</pallas_src>

<mosaic_0001>
#map = affine_map<(d0, d1) -> (0, 0, 0)>
#map1 = affine_map<(d0, d1) -> (0, 0)>
module attributes {stable_mosaic.version = 14 : i64} {
  func.func @_sc_body(%arg0: i32, %arg1: i32, %arg2: memref<26x128x128xi32, #tpu.memory_space<hbm>>, %arg3: memref<2600000x32xf32, #tpu.memory_space<hbm>>, %arg4: memref<16384x32xf32, #tpu.memory_space<hbm>>, %arg5: memref<4x128xi32, #tpu.memory_space<vmem>>, %arg6: memref<512x32xf32, #tpu.memory_space<vmem>>, %arg7: memref<512x32xf32, #tpu.memory_space<vmem>>, %arg8: memref<!tpu.dma_semaphore, #tpu.memory_space<semaphore_mem>>) attributes {dimension_semantics = [#tpu.dimension_semantics<core_parallel>, #tpu.dimension_semantics<subcore_parallel>], iteration_bounds = array<i64: 2, 16>, scalar_prefetch = 0 : i64, scratch_operands = 4 : i64, tpu.core_type = #tpu.core_type<sc_vector_subcore>, window_params = [{transform_indices = #map}, {transform_indices = #map1}, {transform_indices = #map1}]} {
    %mul3A = arith.constant 2 : i32
    %mul3A_0 = arith.muli %arg1, %mul3A : i32
    %add3A = arith.addi %mul3A_0, %arg0 : i32
    %mul3A_1 = arith.constant 512 : i32
    %mul3A_2 = arith.muli %add3A, %mul3A_1 : i32
    %broadcast_in_dim3A = arith.constant 0.000000e+00 : f32
    %broadcast_in_dim3A_3 = vector.broadcast %broadcast_in_dim3A : f32 to vector<16xf32>
    %scan3A = arith.constant 0 : i32
    %scan3A_4 = arith.constant 512 : i32
    %scan3A_5 = arith.addi %scan3A, %scan3A_4 : i32
    %scan3A_6 = arith.constant 8 : i32
    scf.for %scan3A_13 = %scan3A to %scan3A_5 step %scan3A_6  : i32 {
      %swap3A = arith.index_cast %scan3A_13 : i32 to index
      %swap3A_14 = arith.constant 0 : index
      %swap3A_15 = tpu.vector_load %arg7[%swap3A, %swap3A_14] {strides = array<i32>} : memref<512x32xf32, #tpu.memory_space<vmem>>, vector<1x16xf32>,
      %swap3A_16 = vector.shape_cast %swap3A_15 : vector<1x16xf32> to vector<16xf32>
      %swap3A_17 = vector.shape_cast %broadcast_in_dim3A_3 : vector<16xf32> to vector<1x16xf32>
      tpu.vector_store %arg7[%swap3A, %swap3A_14], %swap3A_17 {strides = array<i32>} : memref<512x32xf32, #tpu.memory_space<vmem>>, vector<1x16xf32>,
      %swap3A_18 = arith.index_cast %scan3A_13 : i32 to index
      %swap3A_19 = arith.constant 16 : index
      %swap3A_20 = tpu.vector_load %arg7[%swap3A_18, %swap3A_19] {strides = array<i32>} : memref<512x32xf32, #tpu.memory_space<vmem>>, vector<1x16xf32>,
      %swap3A_21 = vector.shape_cast %swap3A_20 : vector<1x16xf32> to vector<16xf32>
      %swap3A_22 = vector.shape_cast %broadcast_in_dim3A_3 : vector<16xf32> to vector<1x16xf32>
      tpu.vector_store %arg7[%swap3A_18, %swap3A_19], %swap3A_22 {strides = array<i32>} : memref<512x32xf32, #tpu.memory_space<vmem>>, vector<1x16xf32>,
      %scan3A_23 = arith.constant 1 : i32
      %scan3A_24 = arith.addi %scan3A_13, %scan3A_23 : i32
      %swap3A_25 = arith.index_cast %scan3A_24 : i32 to index
      %swap3A_26 = arith.constant 0 : index
      %swap3A_27 = tpu.vector_load %arg7[%swap3A_25, %swap3A_26] {strides = array<i32>} : memref<512x32xf32, #tpu.memory_space<vmem>>, vector<1x16xf32>,
      %swap3A_28 = vector.shape_cast %swap3A_27 : vector<1x16xf32> to vector<16xf32>
      %swap3A_29 = vector.shape_cast %broadcast_in_dim3A_3 : vector<16xf32> to vector<1x16xf32>
      tpu.vector_store %arg7[%swap3A_25, %swap3A_26], %swap3A_29 {strides = array<i32>} : memref<512x32xf32, #tpu.memory_space<vmem>>, vector<1x16xf32>,
      %swap3A_30 = arith.index_cast %scan3A_24 : i32 to index
      %swap3A_31 = arith.constant 16 : index
      %swap3A_32 = tpu.vector_load %arg7[%swap3A_30, %swap3A_31] {strides = array<i32>} : memref<512x32xf32, #tpu.memory_space<vmem>>, vector<1x16xf32>,
      %swap3A_33 = vector.shape_cast %swap3A_32 : vector<1x16xf32> to vector<16xf32>
      %swap3A_34 = vector.shape_cast %broadcast_in_dim3A_3 : vector<16xf32> to vector<1x16xf32>
      tpu.vector_store %arg7[%swap3A_30, %swap3A_31], %swap3A_34 {strides = array<i32>} : memref<512x32xf32, #tpu.memory_space<vmem>>, vector<1x16xf32>,
      %scan3A_35 = arith.constant 2 : i32
      %scan3A_36 = arith.addi %scan3A_13, %scan3A_35 : i32
      %swap3A_37 = arith.index_cast %scan3A_36 : i32 to index
      %swap3A_38 = arith.constant 0 : index
      %swap3A_39 = tpu.vector_load %arg7[%swap3A_37, %swap3A_38] {strides = array<i32>} : memref<512x32xf32, #tpu.memory_space<vmem>>, vector<1x16xf32>,
      %swap3A_40 = vector.shape_cast %swap3A_39 : vector<1x16xf32> to vector<16xf32>
      %swap3A_41 = vector.shape_cast %broadcast_in_dim3A_3 : vector<16xf32> to vector<1x16xf32>
      tpu.vector_store %arg7[%swap3A_37, %swap3A_38], %swap3A_41 {strides = array<i32>} : memref<512x32xf32, #tpu.memory_space<vmem>>, vector<1x16xf32>,
      %swap3A_42 = arith.index_cast %scan3A_36 : i32 to index
      %swap3A_43 = arith.constant 16 : index
      %swap3A_44 = tpu.vector_load %arg7[%swap3A_42, %swap3A_43] {strides = array<i32>} : memref<512x32xf32, #tpu.memory_space<vmem>>, vector<1x16xf32>,
      %swap3A_45 = vector.shape_cast %swap3A_44 : vector<1x16xf32> to vector<16xf32>
      %swap3A_46 = vector.shape_cast %broadcast_in_dim3A_3 : vector<16xf32> to vector<1x16xf32>
      tpu.vector_store %arg7[%swap3A_42, %swap3A_43], %swap3A_46 {strides = array<i32>} : memref<512x32xf32, #tpu.memory_space<vmem>>, vector<1x16xf32>,
      %scan3A_47 = arith.constant 3 : i32
      %scan3A_48 = arith.addi %scan3A_13, %scan3A_47 : i32
      %swap3A_49 = arith.index_cast %scan3A_48 : i32 to index
      %swap3A_50 = arith.constant 0 : index
      %swap3A_51 = tpu.vector_load %arg7[%swap3A_49, %swap3A_50] {strides = array<i32>} : memref<512x32xf32, #tpu.memory_space<vmem>>, vector<1x16xf32>,
      %swap3A_52 = vector.shape_cast %swap3A_51 : vector<1x16xf32> to vector<16xf32>
      %swap3A_53 = vector.shape_cast %broadcast_in_dim3A_3 : vector<16xf32> to vector<1x16xf32>
      tpu.vector_store %arg7[%swap3A_49, %swap3A_50], %swap3A_53 {strides = array<i32>} : memref<512x32xf32, #tpu.memory_space<vmem>>, vector<1x16xf32>,
      %swap3A_54 = arith.index_cast %scan3A_48 : i32 to index
      %swap3A_55 = arith.constant 16 : index
      %swap3A_56 = tpu.vector_load %arg7[%swap3A_54, %swap3A_55] {strides = array<i32>} : memref<512x32xf32, #tpu.memory_space<vmem>>, vector<1x16xf32>,
      %swap3A_57 = vector.shape_cast %swap3A_56 : vector<1x16xf32> to vector<16xf32>
      %swap3A_58 = vector.shape_cast %broadcast_in_dim3A_3 : vector<16xf32> to vector<1x16xf32>
      tpu.vector_store %arg7[%swap3A_54, %swap3A_55], %swap3A_58 {strides = array<i32>} : memref<512x32xf32, #tpu.memory_space<vmem>>, vector<1x16xf32>,
      %scan3A_59 = arith.constant 4 : i32
      %scan3A_60 = arith.addi %scan3A_13, %scan3A_59 : i32
      %swap3A_61 = arith.index_cast %scan3A_60 : i32 to index
      %swap3A_62 = arith.constant 0 : index
      %swap3A_63 = tpu.vector_load %arg7[%swap3A_61, %swap3A_62] {strides = array<i32>} : memref<512x32xf32, #tpu.memory_space<vmem>>, vector<1x16xf32>,
      %swap3A_64 = vector.shape_cast %swap3A_63 : vector<1x16xf32> to vector<16xf32>
      %swap3A_65 = vector.shape_cast %broadcast_in_dim3A_3 : vector<16xf32> to vector<1x16xf32>
      tpu.vector_store %arg7[%swap3A_61, %swap3A_62], %swap3A_65 {strides = array<i32>} : memref<512x32xf32, #tpu.memory_space<vmem>>, vector<1x16xf32>,
      %swap3A_66 = arith.index_cast %scan3A_60 : i32 to index
      %swap3A_67 = arith.constant 16 : index
      %swap3A_68 = tpu.vector_load %arg7[%swap3A_66, %swap3A_67] {strides = array<i32>} : memref<512x32xf32, #tpu.memory_space<vmem>>, vector<1x16xf32>,
      %swap3A_69 = vector.shape_cast %swap3A_68 : vector<1x16xf32> to vector<16xf32>
      %swap3A_70 = vector.shape_cast %broadcast_in_dim3A_3 : vector<16xf32> to vector<1x16xf32>
      tpu.vector_store %arg7[%swap3A_66, %swap3A_67], %swap3A_70 {strides = array<i32>} : memref<512x32xf32, #tpu.memory_space<vmem>>, vector<1x16xf32>,
      %scan3A_71 = arith.constant 5 : i32
      %scan3A_72 = arith.addi %scan3A_13, %scan3A_71 : i32
      %swap3A_73 = arith.index_cast %scan3A_72 : i32 to index
      %swap3A_74 = arith.constant 0 : index
      %swap3A_75 = tpu.vector_load %arg7[%swap3A_73, %swap3A_74] {strides = array<i32>} : memref<512x32xf32, #tpu.memory_space<vmem>>, vector<1x16xf32>,
      %swap3A_76 = vector.shape_cast %swap3A_75 : vector<1x16xf32> to vector<16xf32>
      %swap3A_77 = vector.shape_cast %broadcast_in_dim3A_3 : vector<16xf32> to vector<1x16xf32>
      tpu.vector_store %arg7[%swap3A_73, %swap3A_74], %swap3A_77 {strides = array<i32>} : memref<512x32xf32, #tpu.memory_space<vmem>>, vector<1x16xf32>,
      %swap3A_78 = arith.index_cast %scan3A_72 : i32 to index
      %swap3A_79 = arith.constant 16 : index
      %swap3A_80 = tpu.vector_load %arg7[%swap3A_78, %swap3A_79] {strides = array<i32>} : memref<512x32xf32, #tpu.memory_space<vmem>>, vector<1x16xf32>,
      %swap3A_81 = vector.shape_cast %swap3A_80 : vector<1x16xf32> to vector<16xf32>
      %swap3A_82 = vector.shape_cast %broadcast_in_dim3A_3 : vector<16xf32> to vector<1x16xf32>
      tpu.vector_store %arg7[%swap3A_78, %swap3A_79], %swap3A_82 {strides = array<i32>} : memref<512x32xf32, #tpu.memory_space<vmem>>, vector<1x16xf32>,
      %scan3A_83 = arith.constant 6 : i32
      %scan3A_84 = arith.addi %scan3A_13, %scan3A_83 : i32
      %swap3A_85 = arith.index_cast %scan3A_84 : i32 to index
      %swap3A_86 = arith.constant 0 : index
      %swap3A_87 = tpu.vector_load %arg7[%swap3A_85, %swap3A_86] {strides = array<i32>} : memref<512x32xf32, #tpu.memory_space<vmem>>, vector<1x16xf32>,
      %swap3A_88 = vector.shape_cast %swap3A_87 : vector<1x16xf32> to vector<16xf32>
      %swap3A_89 = vector.shape_cast %broadcast_in_dim3A_3 : vector<16xf32> to vector<1x16xf32>
      tpu.vector_store %arg7[%swap3A_85, %swap3A_86], %swap3A_89 {strides = array<i32>} : memref<512x32xf32, #tpu.memory_space<vmem>>, vector<1x16xf32>,
      %swap3A_90 = arith.index_cast %scan3A_84 : i32 to index
      %swap3A_91 = arith.constant 16 : index
      %swap3A_92 = tpu.vector_load %arg7[%swap3A_90, %swap3A_91] {strides = array<i32>} : memref<512x32xf32, #tpu.memory_space<vmem>>, vector<1x16xf32>,
      %swap3A_93 = vector.shape_cast %swap3A_92 : vector<1x16xf32> to vector<16xf32>
      %swap3A_94 = vector.shape_cast %broadcast_in_dim3A_3 : vector<16xf32> to vector<1x16xf32>
      tpu.vector_store %arg7[%swap3A_90, %swap3A_91], %swap3A_94 {strides = array<i32>} : memref<512x32xf32, #tpu.memory_space<vmem>>, vector<1x16xf32>,
      %scan3A_95 = arith.constant 7 : i32
      %scan3A_96 = arith.addi %scan3A_13, %scan3A_95 : i32
      %swap3A_97 = arith.index_cast %scan3A_96 : i32 to index
      %swap3A_98 = arith.constant 0 : index
      %swap3A_99 = tpu.vector_load %arg7[%swap3A_97, %swap3A_98] {strides = array<i32>} : memref<512x32xf32, #tpu.memory_space<vmem>>, vector<1x16xf32>,
      %swap3A_100 = vector.shape_cast %swap3A_99 : vector<1x16xf32> to vector<16xf32>
      %swap3A_101 = vector.shape_cast %broadcast_in_dim3A_3 : vector<16xf32> to vector<1x16xf32>
      tpu.vector_store %arg7[%swap3A_97, %swap3A_98], %swap3A_101 {strides = array<i32>} : memref<512x32xf32, #tpu.memory_space<vmem>>, vector<1x16xf32>,
      %swap3A_102 = arith.index_cast %scan3A_96 : i32 to index
      %swap3A_103 = arith.constant 16 : index
      %swap3A_104 = tpu.vector_load %arg7[%swap3A_102, %swap3A_103] {strides = array<i32>} : memref<512x32xf32, #tpu.memory_space<vmem>>, vector<1x16xf32>,
      %swap3A_105 = vector.shape_cast %swap3A_104 : vector<1x16xf32> to vector<16xf32>
      %swap3A_106 = vector.shape_cast %broadcast_in_dim3A_3 : vector<16xf32> to vector<1x16xf32>
      tpu.vector_store %arg7[%swap3A_102, %swap3A_103], %swap3A_106 {strides = array<i32>} : memref<512x32xf32, #tpu.memory_space<vmem>>, vector<1x16xf32>,
    }
    %scan3A_7 = arith.constant 512 : i32
    %scan3A_8 = arith.constant 0 : i32
    %scan3A_9 = arith.constant 26 : i32
    %scan3A_10 = arith.addi %scan3A_8, %scan3A_9 : i32
    %scan3A_11 = arith.constant 1 : i32
    scf.for %scan3A_13 = %scan3A_8 to %scan3A_10 step %scan3A_11  : i32 {
      %mul3A_14 = arith.constant 4 : i32
      %mul3A_15 = arith.muli %add3A, %mul3A_14 : i32
      "tpu.region"() ({
        %run_scoped3A = tpu.sem_alloc : memref<!tpu.dma_semaphore, #tpu.memory_space<semaphore_mem>>
        %dma_start3A_99 = arith.constant 0 : i32
        %dma_start3A_100 = tpu.memref_slice %arg2[%scan3A_13, %mul3A_15, %dma_start3A_99] : memref<26x128x128xi32, #tpu.memory_space<hbm>> -> memref<1x4x128xi32, #tpu.memory_space<hbm>>
        %dma_start3A_101 = tpu.memref_squeeze %dma_start3A_100 : memref<1x4x128xi32, #tpu.memory_space<hbm>> -> memref<4x128xi32, #tpu.memory_space<hbm>>
        %dma_start3A_102 = arith.constant 0 : i32
        %dma_start3A_103 = tpu.memref_slice %arg2[%scan3A_13, %mul3A_15, %dma_start3A_102] : memref<26x128x128xi32, #tpu.memory_space<hbm>> -> memref<1x4x128xi32, #tpu.memory_space<hbm>>
        %dma_start3A_104 = tpu.memref_squeeze %dma_start3A_103 : memref<1x4x128xi32, #tpu.memory_space<hbm>> -> memref<4x128xi32, #tpu.memory_space<hbm>>
        tpu.enqueue_dma source(%dma_start3A_104 : memref<4x128xi32, #tpu.memory_space<hbm>>) target(%arg5 : memref<4x128xi32, #tpu.memory_space<vmem>>) target_semaphore(%run_scoped3A : memref<!tpu.dma_semaphore, #tpu.memory_space<semaphore_mem>>)
        %dma_wait3A_105 = arith.constant 0 : i32
        %dma_wait3A_106 = tpu.memref_slice %arg2[%scan3A_13, %mul3A_15, %dma_wait3A_105] : memref<26x128x128xi32, #tpu.memory_space<hbm>> -> memref<1x4x128xi32, #tpu.memory_space<hbm>>
        %dma_wait3A_107 = tpu.memref_squeeze %dma_wait3A_106 : memref<1x4x128xi32, #tpu.memory_space<hbm>> -> memref<4x128xi32, #tpu.memory_space<hbm>>
        %dma_wait3A_108 = arith.constant 0 : i32
        %dma_wait3A_109 = tpu.memref_slice %arg2[%scan3A_13, %mul3A_15, %dma_wait3A_108] : memref<26x128x128xi32, #tpu.memory_space<hbm>> -> memref<1x4x128xi32, #tpu.memory_space<hbm>>
        %dma_wait3A_110 = tpu.memref_squeeze %dma_wait3A_109 : memref<1x4x128xi32, #tpu.memory_space<hbm>> -> memref<4x128xi32, #tpu.memory_space<hbm>>
        tpu.wait_dma2 semaphore(%run_scoped3A : memref<!tpu.dma_semaphore, #tpu.memory_space<semaphore_mem>>) src(%dma_wait3A_110 : memref<4x128xi32, #tpu.memory_space<hbm>>) dst(%arg5 : memref<4x128xi32, #tpu.memory_space<vmem>>)
        tpu.yield
      }) : () -> ()
      %dma_start3A = arith.constant 0 : i32
      %dma_start3A_16 = arith.constant 0 : i32
      %dma_start3A_17 = arith.constant 0 : i32
      %dma_start3A_18 = tpu.memref_slice %arg6[%dma_start3A_16, %dma_start3A_17] : memref<512x32xf32, #tpu.memory_space<vmem>> -> memref<128x32xf32, #tpu.memory_space<vmem>>
      %dma_start3A_19 = arith.constant 0 : i32
      %dma_start3A_20 = tpu.memref_slice %arg5[%dma_start3A, %dma_start3A_19] : memref<4x128xi32, #tpu.memory_space<vmem>> -> memref<1x128xi32, #tpu.memory_space<vmem>>
      %dma_start3A_21 = tpu.memref_squeeze %dma_start3A_20 : memref<1x128xi32, #tpu.memory_space<vmem>> -> memref<128xi32, #tpu.memory_space<vmem>>
      %dma_start3A_22 = arith.constant 0 : i32
      %dma_start3A_23 = arith.constant 0 : i32
      %dma_start3A_24 = tpu.memref_slice %arg3[%dma_start3A_22, %dma_start3A_23] : memref<2600000x32xf32, #tpu.memory_space<hbm>> -> memref<2600000x32xf32, #tpu.memory_space<hbm>>
      tpu.enqueue_indirect_dma source(%dma_start3A_24 : memref<2600000x32xf32, #tpu.memory_space<hbm>>) target(%dma_start3A_18 : memref<128x32xf32, #tpu.memory_space<vmem>>) offsets(%dma_start3A_21 : memref<128xi32, #tpu.memory_space<vmem>>) semaphore(%arg8 : memref<!tpu.dma_semaphore, #tpu.memory_space<semaphore_mem>>)
      %dma_start3A_25 = arith.constant 1 : i32
      %dma_start3A_26 = arith.constant 128 : i32
      %dma_start3A_27 = arith.constant 0 : i32
      %dma_start3A_28 = tpu.memref_slice %arg6[%dma_start3A_26, %dma_start3A_27] : memref<512x32xf32, #tpu.memory_space<vmem>> -> memref<128x32xf32, #tpu.memory_space<vmem>>
      %dma_start3A_29 = arith.constant 0 : i32
      %dma_start3A_30 = tpu.memref_slice %arg5[%dma_start3A_25, %dma_start3A_29] : memref<4x128xi32, #tpu.memory_space<vmem>> -> memref<1x128xi32, #tpu.memory_space<vmem>>
      %dma_start3A_31 = tpu.memref_squeeze %dma_start3A_30 : memref<1x128xi32, #tpu.memory_space<vmem>> -> memref<128xi32, #tpu.memory_space<vmem>>
      %dma_start3A_32 = arith.constant 0 : i32
      %dma_start3A_33 = arith.constant 0 : i32
      %dma_start3A_34 = tpu.memref_slice %arg3[%dma_start3A_32, %dma_start3A_33] : memref<2600000x32xf32, #tpu.memory_space<hbm>> -> memref<2600000x32xf32, #tpu.memory_space<hbm>>
      tpu.enqueue_indirect_dma source(%dma_start3A_34 : memref<2600000x32xf32, #tpu.memory_space<hbm>>) target(%dma_start3A_28 : memref<128x32xf32, #tpu.memory_space<vmem>>) offsets(%dma_start3A_31 : memref<128xi32, #tpu.memory_space<vmem>>) semaphore(%arg8 : memref<!tpu.dma_semaphore, #tpu.memory_space<semaphore_mem>>)
      %dma_start3A_35 = arith.constant 2 : i32
      %dma_start3A_36 = arith.constant 256 : i32
      %dma_start3A_37 = arith.constant 0 : i32
      %dma_start3A_38 = tpu.memref_slice %arg6[%dma_start3A_36, %dma_start3A_37] : memref<512x32xf32, #tpu.memory_space<vmem>> -> memref<128x32xf32, #tpu.memory_space<vmem>>
      %dma_start3A_39 = arith.constant 0 : i32
      %dma_start3A_40 = tpu.memref_slice %arg5[%dma_start3A_35, %dma_start3A_39] : memref<4x128xi32, #tpu.memory_space<vmem>> -> memref<1x128xi32, #tpu.memory_space<vmem>>
      %dma_start3A_41 = tpu.memref_squeeze %dma_start3A_40 : memref<1x128xi32, #tpu.memory_space<vmem>> -> memref<128xi32, #tpu.memory_space<vmem>>
      %dma_start3A_42 = arith.constant 0 : i32
      %dma_start3A_43 = arith.constant 0 : i32
      %dma_start3A_44 = tpu.memref_slice %arg3[%dma_start3A_42, %dma_start3A_43] : memref<2600000x32xf32, #tpu.memory_space<hbm>> -> memref<2600000x32xf32, #tpu.memory_space<hbm>>
      tpu.enqueue_indirect_dma source(%dma_start3A_44 : memref<2600000x32xf32, #tpu.memory_space<hbm>>) target(%dma_start3A_38 : memref<128x32xf32, #tpu.memory_space<vmem>>) offsets(%dma_start3A_41 : memref<128xi32, #tpu.memory_space<vmem>>) semaphore(%arg8 : memref<!tpu.dma_semaphore, #tpu.memory_space<semaphore_mem>>)
      %dma_start3A_45 = arith.constant 3 : i32
      %dma_start3A_46 = arith.constant 384 : i32
      %dma_start3A_47 = arith.constant 0 : i32
      %dma_start3A_48 = tpu.memref_slice %arg6[%dma_start3A_46, %dma_start3A_47] : memref<512x32xf32, #tpu.memory_space<vmem>> -> memref<128x32xf32, #tpu.memory_space<vmem>>
      %dma_start3A_49 = arith.constant 0 : i32
      %dma_start3A_50 = tpu.memref_slice %arg5[%dma_start3A_45, %dma_start3A_49] : memref<4x128xi32, #tpu.memory_space<vmem>> -> memref<1x128xi32, #tpu.memory_space<vmem>>
      %dma_start3A_51 = tpu.memref_squeeze %dma_start3A_50 : memref<1x128xi32, #tpu.memory_space<vmem>> -> memref<128xi32, #tpu.memory_space<vmem>>
      %dma_start3A_52 = arith.constant 0 : i32
      %dma_start3A_53 = arith.constant 0 : i32
      %dma_start3A_54 = tpu.memref_slice %arg3[%dma_start3A_52, %dma_start3A_53] : memref<2600000x32xf32, #tpu.memory_space<hbm>> -> memref<2600000x32xf32, #tpu.memory_space<hbm>>
      tpu.enqueue_indirect_dma source(%dma_start3A_54 : memref<2600000x32xf32, #tpu.memory_space<hbm>>) target(%dma_start3A_48 : memref<128x32xf32, #tpu.memory_space<vmem>>) offsets(%dma_start3A_51 : memref<128xi32, #tpu.memory_space<vmem>>) semaphore(%arg8 : memref<!tpu.dma_semaphore, #tpu.memory_space<semaphore_mem>>)
      %dma_wait3A = arith.constant 0 : i32
      %dma_wait3A_55 = arith.constant 0 : i32
      %dma_wait3A_56 = arith.constant 0 : i32
      %dma_wait3A_57 = tpu.memref_slice %arg6[%dma_wait3A_55, %dma_wait3A_56] : memref<512x32xf32, #tpu.memory_space<vmem>> -> memref<128x32xf32, #tpu.memory_space<vmem>>
      %dma_wait3A_58 = arith.constant 0 : i32
      %dma_wait3A_59 = tpu.memref_slice %arg5[%dma_wait3A, %dma_wait3A_58] : memref<4x128xi32, #tpu.memory_space<vmem>> -> memref<1x128xi32, #tpu.memory_space<vmem>>
      %dma_wait3A_60 = tpu.memref_squeeze %dma_wait3A_59 : memref<1x128xi32, #tpu.memory_space<vmem>> -> memref<128xi32, #tpu.memory_space<vmem>>
      %dma_wait3A_61 = arith.constant 0 : i32
      %dma_wait3A_62 = arith.constant 0 : i32
      %dma_wait3A_63 = tpu.memref_slice %arg3[%dma_wait3A_61, %dma_wait3A_62] : memref<2600000x32xf32, #tpu.memory_space<hbm>> -> memref<2600000x32xf32, #tpu.memory_space<hbm>>
      tpu.wait_indirect_dma semaphore(%arg8 : memref<!tpu.dma_semaphore, #tpu.memory_space<semaphore_mem>>) src(%dma_wait3A_63 : memref<2600000x32xf32, #tpu.memory_space<hbm>>) dst(%dma_wait3A_57 : memref<128x32xf32, #tpu.memory_space<vmem>>)
      %dma_wait3A_64 = arith.constant 1 : i32
      %dma_wait3A_65 = arith.constant 128 : i32
      %dma_wait3A_66 = arith.constant 0 : i32
      %dma_wait3A_67 = tpu.memref_slice %arg6[%dma_wait3A_65, %dma_wait3A_66] : memref<512x32xf32, #tpu.memory_space<vmem>> -> memref<128x32xf32, #tpu.memory_space<vmem>>
      %dma_wait3A_68 = arith.constant 0 : i32
      %dma_wait3A_69 = tpu.memref_slice %arg5[%dma_wait3A_64, %dma_wait3A_68] : memref<4x128xi32, #tpu.memory_space<vmem>> -> memref<1x128xi32, #tpu.memory_space<vmem>>
      %dma_wait3A_70 = tpu.memref_squeeze %dma_wait3A_69 : memref<1x128xi32, #tpu.memory_space<vmem>> -> memref<128xi32, #tpu.memory_space<vmem>>
      %dma_wait3A_71 = arith.constant 0 : i32
      %dma_wait3A_72 = arith.constant 0 : i32
      %dma_wait3A_73 = tpu.memref_slice %arg3[%dma_wait3A_71, %dma_wait3A_72] : memref<2600000x32xf32, #tpu.memory_space<hbm>> -> memref<2600000x32xf32, #tpu.memory_space<hbm>>
      tpu.wait_indirect_dma semaphore(%arg8 : memref<!tpu.dma_semaphore, #tpu.memory_space<semaphore_mem>>) src(%dma_wait3A_73 : memref<2600000x32xf32, #tpu.memory_space<hbm>>) dst(%dma_wait3A_67 : memref<128x32xf32, #tpu.memory_space<vmem>>)
      %dma_wait3A_74 = arith.constant 2 : i32
      %dma_wait3A_75 = arith.constant 256 : i32
      %dma_wait3A_76 = arith.constant 0 : i32
      %dma_wait3A_77 = tpu.memref_slice %arg6[%dma_wait3A_75, %dma_wait3A_76] : memref<512x32xf32, #tpu.memory_space<vmem>> -> memref<128x32xf32, #tpu.memory_space<vmem>>
      %dma_wait3A_78 = arith.constant 0 : i32
      %dma_wait3A_79 = tpu.memref_slice %arg5[%dma_wait3A_74, %dma_wait3A_78] : memref<4x128xi32, #tpu.memory_space<vmem>> -> memref<1x128xi32, #tpu.memory_space<vmem>>
      %dma_wait3A_80 = tpu.memref_squeeze %dma_wait3A_79 : memref<1x128xi32, #tpu.memory_space<vmem>> -> memref<128xi32, #tpu.memory_space<vmem>>
      %dma_wait3A_81 = arith.constant 0 : i32
      %dma_wait3A_82 = arith.constant 0 : i32
      %dma_wait3A_83 = tpu.memref_slice %arg3[%dma_wait3A_81, %dma_wait3A_82] : memref<2600000x32xf32, #tpu.memory_space<hbm>> -> memref<2600000x32xf32, #tpu.memory_space<hbm>>
      tpu.wait_indirect_dma semaphore(%arg8 : memref<!tpu.dma_semaphore, #tpu.memory_space<semaphore_mem>>) src(%dma_wait3A_83 : memref<2600000x32xf32, #tpu.memory_space<hbm>>) dst(%dma_wait3A_77 : memref<128x32xf32, #tpu.memory_space<vmem>>)
      %dma_wait3A_84 = arith.constant 3 : i32
      %dma_wait3A_85 = arith.constant 384 : i32
      %dma_wait3A_86 = arith.constant 0 : i32
      %dma_wait3A_87 = tpu.memref_slice %arg6[%dma_wait3A_85, %dma_wait3A_86] : memref<512x32xf32, #tpu.memory_space<vmem>> -> memref<128x32xf32, #tpu.memory_space<vmem>>
      %dma_wait3A_88 = arith.constant 0 : i32
      %dma_wait3A_89 = tpu.memref_slice %arg5[%dma_wait3A_84, %dma_wait3A_88] : memref<4x128xi32, #tpu.memory_space<vmem>> -> memref<1x128xi32, #tpu.memory_space<vmem>>
      %dma_wait3A_90 = tpu.memref_squeeze %dma_wait3A_89 : memref<1x128xi32, #tpu.memory_space<vmem>> -> memref<128xi32, #tpu.memory_space<vmem>>
      %dma_wait3A_91 = arith.constant 0 : i32
      %dma_wait3A_92 = arith.constant 0 : i32
      %dma_wait3A_93 = tpu.memref_slice %arg3[%dma_wait3A_91, %dma_wait3A_92] : memref<2600000x32xf32, #tpu.memory_space<hbm>> -> memref<2600000x32xf32, #tpu.memory_space<hbm>>
      tpu.wait_indirect_dma semaphore(%arg8 : memref<!tpu.dma_semaphore, #tpu.memory_space<semaphore_mem>>) src(%dma_wait3A_93 : memref<2600000x32xf32, #tpu.memory_space<hbm>>) dst(%dma_wait3A_87 : memref<128x32xf32, #tpu.memory_space<vmem>>)
      %scan3A_94 = arith.constant 0 : i32
      %scan3A_95 = arith.constant 512 : i32
      %scan3A_96 = arith.addi %scan3A_94, %scan3A_95 : i32
      %scan3A_97 = arith.constant 8 : i32
      scf.for %scan3A_99 = %scan3A_94 to %scan3A_96 step %scan3A_97  : i32 {
        %get3A = arith.index_cast %scan3A_99 : i32 to index
        %get3A_100 = arith.constant 0 : index
        %get3A_101 = tpu.vector_load %arg6[%get3A, %get3A_100] {strides = array<i32>} : memref<512x32xf32, #tpu.memory_space<vmem>>, vector<1x16xf32>,
        %get3A_102 = vector.shape_cast %get3A_101 : vector<1x16xf32> to vector<16xf32>
        %swap3A = arith.index_cast %scan3A_99 : i32 to index
        %swap3A_103 = arith.constant 0 : index
        %swap3A_104 = tpu.vector_load %arg7[%swap3A, %swap3A_103] {strides = array<i32>} : memref<512x32xf32, #tpu.memory_space<vmem>>, vector<1x16xf32>,
        %swap3A_105 = vector.shape_cast %swap3A_104 : vector<1x16xf32> to vector<16xf32>
        %swap3A_106 = vector.shape_cast %get3A_102 : vector<16xf32> to vector<1x16xf32>
        tpu.vector_store %arg7[%swap3A, %swap3A_103], %swap3A_106 {add = true, strides = array<i32>} : memref<512x32xf32, #tpu.memory_space<vmem>>, vector<1x16xf32>,
        %get3A_107 = arith.index_cast %scan3A_99 : i32 to index
        %get3A_108 = arith.constant 16 : index
        %get3A_109 = tpu.vector_load %arg6[%get3A_107, %get3A_108] {strides = array<i32>} : memref<512x32xf32, #tpu.memory_space<vmem>>, vector<1x16xf32>,
        %get3A_110 = vector.shape_cast %get3A_109 : vector<1x16xf32> to vector<16xf32>
        %swap3A_111 = arith.index_cast %scan3A_99 : i32 to index
        %swap3A_112 = arith.constant 16 : index
        %swap3A_113 = tpu.vector_load %arg7[%swap3A_111, %swap3A_112] {strides = array<i32>} : memref<512x32xf32, #tpu.memory_space<vmem>>, vector<1x16xf32>,
        %swap3A_114 = vector.shape_cast %swap3A_113 : vector<1x16xf32> to vector<16xf32>
        %swap3A_115 = vector.shape_cast %get3A_110 : vector<16xf32> to vector<1x16xf32>
        tpu.vector_store %arg7[%swap3A_111, %swap3A_112], %swap3A_115 {add = true, strides = array<i32>} : memref<512x32xf32, #tpu.memory_space<vmem>>, vector<1x16xf32>,
        %scan3A_116 = arith.constant 1 : i32
        %scan3A_117 = arith.addi %scan3A_99, %scan3A_116 : i32
        %get3A_118 = arith.index_cast %scan3A_117 : i32 to index
        %get3A_119 = arith.constant 0 : index
        %get3A_120 = tpu.vector_load %arg6[%get3A_118, %get3A_119] {strides = array<i32>} : memref<512x32xf32, #tpu.memory_space<vmem>>, vector<1x16xf32>,
        %get3A_121 = vector.shape_cast %get3A_120 : vector<1x16xf32> to vector<16xf32>
        %swap3A_122 = arith.index_cast %scan3A_117 : i32 to index
        %swap3A_123 = arith.constant 0 : index
        %swap3A_124 = tpu.vector_load %arg7[%swap3A_122, %swap3A_123] {strides = array<i32>} : memref<512x32xf32, #tpu.memory_space<vmem>>, vector<1x16xf32>,
        %swap3A_125 = vector.shape_cast %swap3A_124 : vector<1x16xf32> to vector<16xf32>
        %swap3A_126 = vector.shape_cast %get3A_121 : vector<16xf32> to vector<1x16xf32>
        tpu.vector_store %arg7[%swap3A_122, %swap3A_123], %swap3A_126 {add = true, strides = array<i32>} : memref<512x32xf32, #tpu.memory_space<vmem>>, vector<1x16xf32>,
        %get3A_127 = arith.index_cast %scan3A_117 : i32 to index
        %get3A_128 = arith.constant 16 : index
        %get3A_129 = tpu.vector_load %arg6[%get3A_127, %get3A_128] {strides = array<i32>} : memref<512x32xf32, #tpu.memory_space<vmem>>, vector<1x16xf32>,
        %get3A_130 = vector.shape_cast %get3A_129 : vector<1x16xf32> to vector<16xf32>
        %swap3A_131 = arith.index_cast %scan3A_117 : i32 to index
        %swap3A_132 = arith.constant 16 : index
        %swap3A_133 = tpu.vector_load %arg7[%swap3A_131, %swap3A_132] {strides = array<i32>} : memref<512x32xf32, #tpu.memory_space<vmem>>, vector<1x16xf32>,
        %swap3A_134 = vector.shape_cast %swap3A_133 : vector<1x16xf32> to vector<16xf32>
        %swap3A_135 = vector.shape_cast %get3A_130 : vector<16xf32> to vector<1x16xf32>
        tpu.vector_store %arg7[%swap3A_131, %swap3A_132], %swap3A_135 {add = true, strides = array<i32>} : memref<512x32xf32, #tpu.memory_space<vmem>>, vector<1x16xf32>,
        %scan3A_136 = arith.constant 2 : i32
        %scan3A_137 = arith.addi %scan3A_99, %scan3A_136 : i32
        %get3A_138 = arith.index_cast %scan3A_137 : i32 to index
        %get3A_139 = arith.constant 0 : index
        %get3A_140 = tpu.vector_load %arg6[%get3A_138, %get3A_139] {strides = array<i32>} : memref<512x32xf32, #tpu.memory_space<vmem>>, vector<1x16xf32>,
        %get3A_141 = vector.shape_cast %get3A_140 : vector<1x16xf32> to vector<16xf32>
        %swap3A_142 = arith.index_cast %scan3A_137 : i32 to index
        %swap3A_143 = arith.constant 0 : index
        %swap3A_144 = tpu.vector_load %arg7[%swap3A_142, %swap3A_143] {strides = array<i32>} : memref<512x32xf32, #tpu.memory_space<vmem>>, vector<1x16xf32>,
        %swap3A_145 = vector.shape_cast %swap3A_144 : vector<1x16xf32> to vector<16xf32>
        %swap3A_146 = vector.shape_cast %get3A_141 : vector<16xf32> to vector<1x16xf32>
        tpu.vector_store %arg7[%swap3A_142, %swap3A_143], %swap3A_146 {add = true, strides = array<i32>} : memref<512x32xf32, #tpu.memory_space<vmem>>, vector<1x16xf32>,
        %get3A_147 = arith.index_cast %scan3A_137 : i32 to index
        %get3A_148 = arith.constant 16 : index
        %get3A_149 = tpu.vector_load %arg6[%get3A_147, %get3A_148] {strides = array<i32>} : memref<512x32xf32, #tpu.memory_space<vmem>>, vector<1x16xf32>,
        %get3A_150 = vector.shape_cast %get3A_149 : vector<1x16xf32> to vector<16xf32>
        %swap3A_151 = arith.index_cast %scan3A_137 : i32 to index
        %swap3A_152 = arith.constant 16 : index
        %swap3A_153 = tpu.vector_load %arg7[%swap3A_151, %swap3A_152] {strides = array<i32>} : memref<512x32xf32, #tpu.memory_space<vmem>>, vector<1x16xf32>,
        %swap3A_154 = vector.shape_cast %swap3A_153 : vector<1x16xf32> to vector<16xf32>
        %swap3A_155 = vector.shape_cast %get3A_150 : vector<16xf32> to vector<1x16xf32>
        tpu.vector_store %arg7[%swap3A_151, %swap3A_152], %swap3A_155 {add = true, strides = array<i32>} : memref<512x32xf32, #tpu.memory_space<vmem>>, vector<1x16xf32>,
        %scan3A_156 = arith.constant 3 : i32
        %scan3A_157 = arith.addi %scan3A_99, %scan3A_156 : i32
        %get3A_158 = arith.index_cast %scan3A_157 : i32 to index
        %get3A_159 = arith.constant 0 : index
        %get3A_160 = tpu.vector_load %arg6[%get3A_158, %get3A_159] {strides = array<i32>} : memref<512x32xf32, #tpu.memory_space<vmem>>, vector<1x16xf32>,
        %get3A_161 = vector.shape_cast %get3A_160 : vector<1x16xf32> to vector<16xf32>
        %swap3A_162 = arith.index_cast %scan3A_157 : i32 to index
        %swap3A_163 = arith.constant 0 : index
        %swap3A_164 = tpu.vector_load %arg7[%swap3A_162, %swap3A_163] {strides = array<i32>} : memref<512x32xf32, #tpu.memory_space<vmem>>, vector<1x16xf32>,
        %swap3A_165 = vector.shape_cast %swap3A_164 : vector<1x16xf32> to vector<16xf32>
        %swap3A_166 = vector.shape_cast %get3A_161 : vector<16xf32> to vector<1x16xf32>
        tpu.vector_store %arg7[%swap3A_162, %swap3A_163], %swap3A_166 {add = true, strides = array<i32>} : memref<512x32xf32, #tpu.memory_space<vmem>>, vector<1x16xf32>,
        %get3A_167 = arith.index_cast %scan3A_157 : i32 to index
        %get3A_168 = arith.constant 16 : index
        %get3A_169 = tpu.vector_load %arg6[%get3A_167, %get3A_168] {strides = array<i32>} : memref<512x32xf32, #tpu.memory_space<vmem>>, vector<1x16xf32>,
        %get3A_170 = vector.shape_cast %get3A_169 : vector<1x16xf32> to vector<16xf32>
        %swap3A_171 = arith.index_cast %scan3A_157 : i32 to index
        %swap3A_172 = arith.constant 16 : index
        %swap3A_173 = tpu.vector_load %arg7[%swap3A_171, %swap3A_172] {strides = array<i32>} : memref<512x32xf32, #tpu.memory_space<vmem>>, vector<1x16xf32>,
        %swap3A_174 = vector.shape_cast %swap3A_173 : vector<1x16xf32> to vector<16xf32>
        %swap3A_175 = vector.shape_cast %get3A_170 : vector<16xf32> to vector<1x16xf32>
        tpu.vector_store %arg7[%swap3A_171, %swap3A_172], %swap3A_175 {add = true, strides = array<i32>} : memref<512x32xf32, #tpu.memory_space<vmem>>, vector<1x16xf32>,
        %scan3A_176 = arith.constant 4 : i32
        %scan3A_177 = arith.addi %scan3A_99, %scan3A_176 : i32
        %get3A_178 = arith.index_cast %scan3A_177 : i32 to index
        %get3A_179 = arith.constant 0 : index
        %get3A_180 = tpu.vector_load %arg6[%get3A_178, %get3A_179] {strides = array<i32>} : memref<512x32xf32, #tpu.memory_space<vmem>>, vector<1x16xf32>,
        %get3A_181 = vector.shape_cast %get3A_180 : vector<1x16xf32> to vector<16xf32>
        %swap3A_182 = arith.index_cast %scan3A_177 : i32 to index
        %swap3A_183 = arith.constant 0 : index
        %swap3A_184 = tpu.vector_load %arg7[%swap3A_182, %swap3A_183] {strides = array<i32>} : memref<512x32xf32, #tpu.memory_space<vmem>>, vector<1x16xf32>,
        %swap3A_185 = vector.shape_cast %swap3A_184 : vector<1x16xf32> to vector<16xf32>
        %swap3A_186 = vector.shape_cast %get3A_181 : vector<16xf32> to vector<1x16xf32>
        tpu.vector_store %arg7[%swap3A_182, %swap3A_183], %swap3A_186 {add = true, strides = array<i32>} : memref<512x32xf32, #tpu.memory_space<vmem>>, vector<1x16xf32>,
        %get3A_187 = arith.index_cast %scan3A_177 : i32 to index
        %get3A_188 = arith.constant 16 : index
        %get3A_189 = tpu.vector_load %arg6[%get3A_187, %get3A_188] {strides = array<i32>} : memref<512x32xf32, #tpu.memory_space<vmem>>, vector<1x16xf32>,
        %get3A_190 = vector.shape_cast %get3A_189 : vector<1x16xf32> to vector<16xf32>
        %swap3A_191 = arith.index_cast %scan3A_177 : i32 to index
        %swap3A_192 = arith.constant 16 : index
        %swap3A_193 = tpu.vector_load %arg7[%swap3A_191, %swap3A_192] {strides = array<i32>} : memref<512x32xf32, #tpu.memory_space<vmem>>, vector<1x16xf32>,
        %swap3A_194 = vector.shape_cast %swap3A_193 : vector<1x16xf32> to vector<16xf32>
        %swap3A_195 = vector.shape_cast %get3A_190 : vector<16xf32> to vector<1x16xf32>
        tpu.vector_store %arg7[%swap3A_191, %swap3A_192], %swap3A_195 {add = true, strides = array<i32>} : memref<512x32xf32, #tpu.memory_space<vmem>>, vector<1x16xf32>,
        %scan3A_196 = arith.constant 5 : i32
        %scan3A_197 = arith.addi %scan3A_99, %scan3A_196 : i32
        %get3A_198 = arith.index_cast %scan3A_197 : i32 to index
        %get3A_199 = arith.constant 0 : index
        %get3A_200 = tpu.vector_load %arg6[%get3A_198, %get3A_199] {strides = array<i32>} : memref<512x32xf32, #tpu.memory_space<vmem>>, vector<1x16xf32>,
        %get3A_201 = vector.shape_cast %get3A_200 : vector<1x16xf32> to vector<16xf32>
        %swap3A_202 = arith.index_cast %scan3A_197 : i32 to index
        %swap3A_203 = arith.constant 0 : index
        %swap3A_204 = tpu.vector_load %arg7[%swap3A_202, %swap3A_203] {strides = array<i32>} : memref<512x32xf32, #tpu.memory_space<vmem>>, vector<1x16xf32>,
        %swap3A_205 = vector.shape_cast %swap3A_204 : vector<1x16xf32> to vector<16xf32>
        %swap3A_206 = vector.shape_cast %get3A_201 : vector<16xf32> to vector<1x16xf32>
        tpu.vector_store %arg7[%swap3A_202, %swap3A_203], %swap3A_206 {add = true, strides = array<i32>} : memref<512x32xf32, #tpu.memory_space<vmem>>, vector<1x16xf32>,
        %get3A_207 = arith.index_cast %scan3A_197 : i32 to index
        %get3A_208 = arith.constant 16 : index
        %get3A_209 = tpu.vector_load %arg6[%get3A_207, %get3A_208] {strides = array<i32>} : memref<512x32xf32, #tpu.memory_space<vmem>>, vector<1x16xf32>,
        %get3A_210 = vector.shape_cast %get3A_209 : vector<1x16xf32> to vector<16xf32>
        %swap3A_211 = arith.index_cast %scan3A_197 : i32 to index
        %swap3A_212 = arith.constant 16 : index
        %swap3A_213 = tpu.vector_load %arg7[%swap3A_211, %swap3A_212] {strides = array<i32>} : memref<512x32xf32, #tpu.memory_space<vmem>>, vector<1x16xf32>,
        %swap3A_214 = vector.shape_cast %swap3A_213 : vector<1x16xf32> to vector<16xf32>
        %swap3A_215 = vector.shape_cast %get3A_210 : vector<16xf32> to vector<1x16xf32>
        tpu.vector_store %arg7[%swap3A_211, %swap3A_212], %swap3A_215 {add = true, strides = array<i32>} : memref<512x32xf32, #tpu.memory_space<vmem>>, vector<1x16xf32>,
        %scan3A_216 = arith.constant 6 : i32
        %scan3A_217 = arith.addi %scan3A_99, %scan3A_216 : i32
        %get3A_218 = arith.index_cast %scan3A_217 : i32 to index
        %get3A_219 = arith.constant 0 : index
        %get3A_220 = tpu.vector_load %arg6[%get3A_218, %get3A_219] {strides = array<i32>} : memref<512x32xf32, #tpu.memory_space<vmem>>, vector<1x16xf32>,
        %get3A_221 = vector.shape_cast %get3A_220 : vector<1x16xf32> to vector<16xf32>
        %swap3A_222 = arith.index_cast %scan3A_217 : i32 to index
        %swap3A_223 = arith.constant 0 : index
        %swap3A_224 = tpu.vector_load %arg7[%swap3A_222, %swap3A_223] {strides = array<i32>} : memref<512x32xf32, #tpu.memory_space<vmem>>, vector<1x16xf32>,
        %swap3A_225 = vector.shape_cast %swap3A_224 : vector<1x16xf32> to vector<16xf32>
        %swap3A_226 = vector.shape_cast %get3A_221 : vector<16xf32> to vector<1x16xf32>
        tpu.vector_store %arg7[%swap3A_222, %swap3A_223], %swap3A_226 {add = true, strides = array<i32>} : memref<512x32xf32, #tpu.memory_space<vmem>>, vector<1x16xf32>,
        %get3A_227 = arith.index_cast %scan3A_217 : i32 to index
        %get3A_228 = arith.constant 16 : index
        %get3A_229 = tpu.vector_load %arg6[%get3A_227, %get3A_228] {strides = array<i32>} : memref<512x32xf32, #tpu.memory_space<vmem>>, vector<1x16xf32>,
        %get3A_230 = vector.shape_cast %get3A_229 : vector<1x16xf32> to vector<16xf32>
        %swap3A_231 = arith.index_cast %scan3A_217 : i32 to index
        %swap3A_232 = arith.constant 16 : index
        %swap3A_233 = tpu.vector_load %arg7[%swap3A_231, %swap3A_232] {strides = array<i32>} : memref<512x32xf32, #tpu.memory_space<vmem>>, vector<1x16xf32>,
        %swap3A_234 = vector.shape_cast %swap3A_233 : vector<1x16xf32> to vector<16xf32>
        %swap3A_235 = vector.shape_cast %get3A_230 : vector<16xf32> to vector<1x16xf32>
        tpu.vector_store %arg7[%swap3A_231, %swap3A_232], %swap3A_235 {add = true, strides = array<i32>} : memref<512x32xf32, #tpu.memory_space<vmem>>, vector<1x16xf32>,
        %scan3A_236 = arith.constant 7 : i32
        %scan3A_237 = arith.addi %scan3A_99, %scan3A_236 : i32
        %get3A_238 = arith.index_cast %scan3A_237 : i32 to index
        %get3A_239 = arith.constant 0 : index
        %get3A_240 = tpu.vector_load %arg6[%get3A_238, %get3A_239] {strides = array<i32>} : memref<512x32xf32, #tpu.memory_space<vmem>>, vector<1x16xf32>,
        %get3A_241 = vector.shape_cast %get3A_240 : vector<1x16xf32> to vector<16xf32>
        %swap3A_242 = arith.index_cast %scan3A_237 : i32 to index
        %swap3A_243 = arith.constant 0 : index
        %swap3A_244 = tpu.vector_load %arg7[%swap3A_242, %swap3A_243] {strides = array<i32>} : memref<512x32xf32, #tpu.memory_space<vmem>>, vector<1x16xf32>,
        %swap3A_245 = vector.shape_cast %swap3A_244 : vector<1x16xf32> to vector<16xf32>
        %swap3A_246 = vector.shape_cast %get3A_241 : vector<16xf32> to vector<1x16xf32>
        tpu.vector_store %arg7[%swap3A_242, %swap3A_243], %swap3A_246 {add = true, strides = array<i32>} : memref<512x32xf32, #tpu.memory_space<vmem>>, vector<1x16xf32>,
        %get3A_247 = arith.index_cast %scan3A_237 : i32 to index
        %get3A_248 = arith.constant 16 : index
        %get3A_249 = tpu.vector_load %arg6[%get3A_247, %get3A_248] {strides = array<i32>} : memref<512x32xf32, #tpu.memory_space<vmem>>, vector<1x16xf32>,
        %get3A_250 = vector.shape_cast %get3A_249 : vector<1x16xf32> to vector<16xf32>
        %swap3A_251 = arith.index_cast %scan3A_237 : i32 to index
        %swap3A_252 = arith.constant 16 : index
        %swap3A_253 = tpu.vector_load %arg7[%swap3A_251, %swap3A_252] {strides = array<i32>} : memref<512x32xf32, #tpu.memory_space<vmem>>, vector<1x16xf32>,
        %swap3A_254 = vector.shape_cast %swap3A_253 : vector<1x16xf32> to vector<16xf32>
        %swap3A_255 = vector.shape_cast %get3A_250 : vector<16xf32> to vector<1x16xf32>
        tpu.vector_store %arg7[%swap3A_251, %swap3A_252], %swap3A_255 {add = true, strides = array<i32>} : memref<512x32xf32, #tpu.memory_space<vmem>>, vector<1x16xf32>,
      }
      %scan3A_98 = arith.constant 512 : i32
    }
    %scan3A_12 = arith.constant 26 : i32
    "tpu.region"() ({
      %run_scoped3A = tpu.sem_alloc : memref<!tpu.dma_semaphore, #tpu.memory_space<semaphore_mem>>
      %dma_start3A = arith.constant 0 : i32
      %dma_start3A_13 = tpu.memref_slice %arg4[%mul3A_2, %dma_start3A] : memref<16384x32xf32, #tpu.memory_space<hbm>> -> memref<512x32xf32, #tpu.memory_space<hbm>>
      %dma_start3A_14 = arith.constant 0 : i32
      %dma_start3A_15 = tpu.memref_slice %arg4[%mul3A_2, %dma_start3A_14] : memref<16384x32xf32, #tpu.memory_space<hbm>> -> memref<512x32xf32, #tpu.memory_space<hbm>>
      tpu.enqueue_dma source(%arg7 : memref<512x32xf32, #tpu.memory_space<vmem>>) target(%dma_start3A_15 : memref<512x32xf32, #tpu.memory_space<hbm>>) target_semaphore(%run_scoped3A : memref<!tpu.dma_semaphore, #tpu.memory_space<semaphore_mem>>)
      %dma_wait3A = arith.constant 0 : i32
      %dma_wait3A_16 = tpu.memref_slice %arg4[%mul3A_2, %dma_wait3A] : memref<16384x32xf32, #tpu.memory_space<hbm>> -> memref<512x32xf32, #tpu.memory_space<hbm>>
      %dma_wait3A_17 = arith.constant 0 : i32
      %dma_wait3A_18 = tpu.memref_slice %arg4[%mul3A_2, %dma_wait3A_17] : memref<16384x32xf32, #tpu.memory_space<hbm>> -> memref<512x32xf32, #tpu.memory_space<hbm>>
      tpu.wait_dma2 semaphore(%run_scoped3A : memref<!tpu.dma_semaphore, #tpu.memory_space<semaphore_mem>>) src(%arg7 : memref<512x32xf32, #tpu.memory_space<vmem>>) dst(%dma_wait3A_18 : memref<512x32xf32, #tpu.memory_space<hbm>>)
      tpu.yield
    }) : () -> ()
    return
  }
}

</mosaic_0001>

<sc_bundles>
// kernel: kernel.3.cloned.1.call-start
scs
__scs_entry_jumppad:
0x0: {  	(pc) =	sbr.rel $0x88, $3  }
0x1: {  	(tag) =	ssettag $0x0;
	lr =	simm.s32 $0x1  }
0x2: {  	[smem:$0x3F9F] =	sst lr;
	_ =	strace $0xD0000000  }
0x3: {  	_ = 	snop  }
0x4: {  	_ = 	snop  }
0x5: {  	_ = 	snop  }
0x6: {  	_ = 	snop  }
0x7: {  	_ = 	snop  }
__scs_overlays_trampoline_lowered:
0x8: {  	[smem:$0x3FAE] =	sst s0  }
0x9: {  	[smem:$0x3FAF] =	sst s1  }
0xa: {  	[smem:$0x3FB0] =	sst s2  }
0xb: {  	[smem:$0x3FB1] =	sst s3  }
0xc: {  	[smem:$0x3FB2] =	sst s4  }
0xd: {  	[smem:$0x3FB3] =	sst s5  }
0xe: {  	[smem:$0x3FB4] =	sst s6  }
0xf: {  	[smem:$0x3FB5] =	sst s7  }
0x10: {  	[smem:$0x3FB6] =	sst s8  }
0x11: {  	[smem:$0x3FB7] =	sst s9;
	s0 =	simm.s32 @!p0 $0x0  }
0x12: {  	s1 =	sld [smem:$0x3F9D];
	s0 =	simm.s32 @p0 $0x1  }
0x13: {  	[smem:$0x3FB8] =	sst s0;
	s0 =	simm.s32 @!p1 $0x0  }
0x14: {  	s2 =	sld [smem:$0x3F9C];
	s0 =	simm.s32 @p1 $0x1  }
0x15: {  	[smem:$0x3FB9] =	sst s0;
	s0 =	simm.s32 @!p2 $0x0  }
0x16: {  	s3 =	sld [smem:$0x3FDB];
	s0 =	simm.s32 @p2 $0x1  }
0x17: {  	s4 =	simm.s32 $0x1BF5;
	[smem:$0x3FBB] =	sst s0  }
0x18: {  	s0 =	sld [smem:$0x3F9E];
	_ =	swait.ge [sflag:s4], $0x0  }
0x19: {  	s7 =	sld [smem:$0x3F9F]  }
0x1a: {  	s8 =	sadd.s32 $0xFFFFE003, lr  }
0x1b: {  	s9 =	sadd.s32 $0xFFFFFEF7, lr;
	s5 =	simm.s32 $0xFFFFFFFF;
	p2 =	slt.u32 s8, $0xFFFFF086  }
0x1c: {  	p1 =	slt.u32 s9, $0xF7A;
	s5 =	simm.s32 @!p2 $0x0  }
0x1d: {  	s5 =	simm.s32 @p1 $0x1;
	p0 =	seq.s32 s7, s2  }
0x1e: {  	s7 =	smul.u32 @!p0 $0xF7A, s2;
	p2 =	seq.s32 @!p0 s5, $0x0  }
0x1f: {  	s9 =	smul.u32 $0xF7A, s1;
	s8 =	simm.s32 @!p0 $0x1BF5;
	p2 =	por !p2, p0  }
0x20: {  	[sflag:s8] =	ssyncset.s32 @!p0 $0xFFFFF086;
	s6 =	sadd.s32 @!p0 s3, s7;
	s7 =	simm.s32 @!p0 $0x108  }
0x21: {  	s3 =	sadd.s32 s3, s9;
	s6 =	sadd.s32 @!p0 $0x88, s6;
	s7 =	simm.s32 @p2 $0x1082  }
0x22: {  	[simem:s7], [sflag:s8] =	dma.local @!p0 [hbm:s6], $0xF7A  }
0x23: {  	s9 =	sor.u32 $0xD0000000, s2;
	s6 =	simm.s32 $0x108;
	_ =	swait.ge @!p0 [sflag:s8], $0x0  }
0x24: {  	s3 =	sadd.s32 $0x88, s3;
	s6 =	simm.s32 @!p1 $0x1082;
	[sflag:s4] =	ssyncset.s32 $0xFFFFF086  }
0x25: {  	[simem:s6], [sflag:s4] =	dma.local [hbm:s3], $0xF7A  }
0x26: {  	[smem:$0x3F9F] =	sst s1;
	(tag) =	ssettag s2;
	_ =	strace s9  }
0x27: {  	s1 =	sld [smem:$0x3FAF]  }
0x28: {  	s2 =	sld [smem:$0x3FB0]  }
0x29: {  	s4 =	sld [smem:$0x3FB2]  }
0x2a: {  	p0 =	seq.s32 s5, $0x0;
	s5 =	sld [smem:$0x3FB3]  }
0x2b: {  	s6 =	sld [smem:$0x3FB4]  }
0x2c: {  	s7 =	sld [smem:$0x3FB5]  }
0x2d: {  	s3 =	simm.s32 $0x108;
	s8 =	sld [smem:$0x3FB6]  }
0x2e: {  	s3 =	simm.s32 @!p0 $0x1082;
	s9 =	sld [smem:$0x3FB7]  }
0x2f: {  	lr =	sadd.s32 s0, s3;
	s0 =	sld [smem:$0x3FAE]  }
0x30: {  	s3 =	sld [smem:$0x3FB1]  }
0x31: {  	[smem:$0x3FBA] =	sst s10  }
0x32: {  	s10 =	sld [smem:$0x3FB8];
	_ =	sdelay $0x3  }
0x33: {  	p0 =	seq.s32 s10, $0x1;
	s10 =	sld [smem:$0x3FBA];
	_ =	sdelay $0x3  }
0x34: {  	[smem:$0x3FBA] =	sst s10  }
0x35: {  	s10 =	sld [smem:$0x3FB9];
	_ =	sdelay $0x3  }
0x36: {  	p1 =	seq.s32 s10, $0x1;
	s10 =	sld [smem:$0x3FBA];
	_ =	sdelay $0x3  }
0x37: {  	[smem:$0x3FBA] =	sst s10  }
0x38: {  	s10 =	sld [smem:$0x3FBB]  }
0x39: {  	_ = 	snop;
	(pc) =	sbr.ind lr, $3  }
0x3a: {  	_ = 	snop  }
0x3b: {  	_ = 	snop  }
0x3c: {  	p2 =	seq.s32 s10, $0x1;
	s10 =	sld [smem:$0x3FBA]  }
0x3d: {  	_ =	shalt  }
0x3e: {  	_ =	shalt  }
0x3f: {  	_ =	shalt  }
0x40: {  	_ =	shalt  }
0x41: {  	_ =	shalt  }
0x42: {  	_ =	shalt  }
0x43: {  	_ =	shalt  }
0x44: {  	_ =	shalt  }
0x45: {  	_ =	shalt  }
0x46: {  	_ =	shalt  }
0x47: {  	_ =	shalt  }
0x48: {  	_ =	shalt  }
0x49: {  	_ =	shalt  }
0x4a: {  	_ =	shalt  }
0x4b: {  	_ =	shalt  }
0x4c: {  	_ =	shalt  }
0x4d: {  	_ =	shalt  }
0x4e: {  	_ =	shalt  }
0x4f: {  	_ =	shalt  }
0x50: {  	_ =	shalt  }
0x51: {  	_ =	shalt  }
0x52: {  	_ =	shalt  }
0x53: {  	_ =	shalt  }
0x54: {  	_ =	shalt  }
0x55: {  	_ =	shalt  }
0x56: {  	_ =	shalt  }
0x57: {  	_ =	shalt  }
0x58: {  	_ =	shalt  }
0x59: {  	_ =	shalt  }
0x5a: {  	_ =	shalt  }
0x5b: {  	_ =	shalt  }
0x5c: {  	_ =	shalt  }
0x5d: {  	_ =	shalt  }
0x5e: {  	_ =	shalt  }
0x5f: {  	_ =	shalt  }
0x60: {  	_ =	shalt  }
0x61: {  	_ =	shalt  }
0x62: {  	_ =	shalt  }
0x63: {  	_ =	shalt  }
0x64: {  	_ =	shalt  }
0x65: {  	_ =	shalt  }
0x66: {  	_ =	shalt  }
0x67: {  	_ =	shalt  }
0x68: {  	_ =	shalt  }
0x69: {  	_ =	shalt  }
0x6a: {  	_ =	shalt  }
0x6b: {  	_ =	shalt  }
0x6c: {  	_ =	shalt  }
0x6d: {  	_ =	shalt  }
0x6e: {  	_ =	shalt  }
0x6f: {  	_ =	shalt  }
0x70: {  	_ =	shalt  }
0x71: {  	_ =	shalt  }
0x72: {  	_ =	shalt  }
0x73: {  	_ =	shalt  }
0x74: {  	_ =	shalt  }
0x75: {  	_ =	shalt  }
0x76: {  	_ =	shalt  }
0x77: {  	_ =	shalt  }
0x78: {  	_ =	shalt  }
0x79: {  	_ =	shalt  }
0x7a: {  	_ =	shalt  }
0x7b: {  	_ =	shalt  }
0x7c: {  	_ =	shalt  }
0x7d: {  	_ =	shalt  }
0x7e: {  	_ =	shalt  }
0x7f: {  	_ =	shalt  }
0x80: {  	_ =	shalt  }
0x81: {  	_ =	shalt  }
0x82: {  	_ =	shalt  }
0x83: {  	_ =	shalt  }
0x84: {  	_ =	shalt  }
0x85: {  	_ =	shalt  }
0x86: {  	_ =	shalt  }
0x87: {  	_ =	shalt  }
.Lfunc_end0:
.L_simem_size_0:
called_computation_lowered:
.L_overlay_start_0:
0x88: {  	s2 =	sld [smem:$0x3FD9]  }
0x89: {  	s3 =	sld [smem:$0x3FFE];
	_ =	sdelay $0x1  }
0x8a: {  	s1 =	srdreg.scid  }
0x8b: {  	s0 =	sand.u32 $0x1, s1  }
0x8c: {  	s17 =	sshll.u32 s0, $0xA;
	s2 =	sadd.s32 s3, s2  }
0x8d: {  	s2 =	sadd.s32 s2, s17  }
0x8e: {  	[smem:$0x3FC6] =	sst s2  }
0x8f: {  	_ = 	snop  }
0x90: {  	s2 =	sld [smem:$0x3FD0];
	(tm) =	ssettm $0x1  }
0x91: {  	s18 =	sld [smem:$0x3FFB];
	_ =	sdelay $0x3  }
0x92: {  	_ =	strace s18  }
0x93: {  	s3 =	sld [smem:$0x3FFC];
	_ =	sdelay $0x3  }
0x94: {  	_ =	strace s3  }
0x95: {  	s3 =	sld [smem:$0x3FFD];
	_ =	sdelay $0x3  }
0x96: {  	_ =	strace s3  }
0x97: {  	_ =	strace $0x8FFFFFFF  }
0x98: {  	s19 =	sld [smem:$0x3FDB];
	_ =	sdelay $0x1  }
0x99: {  	s4 =	simm.s32 $_scs_section_size  }
0x9a: {  	s5 =	simm.s32 $_size__tile_overlayer_lowered;
	s6 =	simm.s32 $_tile_overlayer_lowered  }
0x9b: {  	s22 =	simm.s32 $0x1BFF;
	s21 =	sshll.u32 s6, $0x1;
	s3 =	sadd.s32 s4, s19  }
0x9c: {  	s7 =	simm.s32 $0x0;
	s20 =	sshll.u32 s5, $0x1;
	s5 =	sadd.s32 s21, s3  }
0x9d: {  	[timem:s7], [sflag:s22] =	dma.local [hbm:s5], s20  }
0x9e: {  	_ =	swait.ge [sflag:s22], s20  }
0x9f: {  	s4 =	ssub.s32 $0x0, s20;
	[sflag:s22] =	ssyncset.done $0x0  }
0xa0: {  	[sflag:s22] =	ssyncadd.s32 s4;
	_ =	sdelay $0x1  }
0xa1: {  	s23 =	simm.s32 $0x1B8B  }
0xa2: {  	_ =	swait.ge [sflag:s23], $0x1  }
0xa3: {  	[sflag:s23] =	ssyncset.done $0x0  }
0xa4: {  	s25 =	simm.s32 $0x1B8E;
	s24 =	sld [smem:$0x3FFE];
	[sflag:s23] =	ssyncadd.s32 $0xFFFFFFFF  }
0xa5: {  	s26 =	simm.s32 $execute0_lowered;
	[smem:$0x3FD2] =	sst s25  }
0xa6: {  	s5 =	sshll.u32 s26, $0x1;
	_ =	strace $0x80000046;
	[dreg:$0x1] =	wrdreg $0xFFFFFFFF  }
0xa7: {  	s28 =	simm.s32 $_size_execute0_lowered;
	s3 =	sadd.s32 s3, s5;
	[dreg:$0x0] =	wrdreg $0x0  }
0xa8: {  	s5 =	sshll.u32 s28, $0x1;
	[dreg:$0x2] =	wrdreg s3  }
0xa9: {  	[dreg:$0x3] =	wrdreg s5  }
0xaa: {  	[dreg:$0x4] =	wrdreg $0xC0  }
0xab: {  	_ =	task [dreg:s7], $0x5FFFF  }
0xac: {  	[dreg:$0x1] =	wrdreg $0xFFFFFFFF  }
0xad: {  	[dreg:$0x0] =	wrdreg $0x60  }
0xae: {  	[dreg:$0x2] =	wrdreg s24  }
0xaf: {  	[dreg:$0x3] =	wrdreg s2  }
0xb0: {  	[dreg:$0x4] =	wrdreg $0x9  }
0xb1: {  	_ =	task.clear_ibuf [dreg:s7], $0x5FFFF;
	_ =	strace $0x90000046  }
0xb2: {  	s29 =	simm.s32 $0x9;
	_ =	strace $0x80000048  }
0xb3: {  	_ =	swait.ge [sflag:s29], $0x1  }
0xb4: {  	[sflag:s29] =	ssyncadd.s32 $0xFFFFFFFF  }
0xb5: {  	_ =	strace $0x90000048  }
0xb6: {  	_ =	sfence  }
0xb7: {  	s30 =	sld [smem:$0x0];
	_ =	sdelay $0x2  }
0xb8: {  	s31 =	sshll.u32 s1, $0xD;
	s1 =	sshrl.u32 s1, $0x2  }
0xb9: {  	s3 =	sand.u32 $0x4000, s31;
	s1 =	sadd.s32 s1, s30  }
0xba: {  	s0 =	sor.u32 s3, s0;
	s1 =	sshll.u32 s1, $0x11  }
0xbb: {  	s0 =	sor.u32 s1, s0  }
0xbc: {  	s0 =	sadd.s32 $0x8F2B, s0  }
0xbd: {  	[sflag:s0] =	ssyncadd.remote.s32 $0x1  }
0xbe: {  	_ =	sfence.sel $0xFFFF  }
0xbf: {  	[dreg:$0x0] =	wrdreg $0xFFFFFFFF;
	(pc) =	sbr.abs _section_cstart, $3  }
0xc0: {  	[dreg:$0x1] =	wrdreg $0xFFFFFFFF  }
0xc1: {  	_ =	task.clear_ibuf [dreg:s7], $0x2FFFF;
	_ =	strace $0x9FFFFFFF  }
0xc2: {  	(tm) =	ssettm $0x7FFFFFFF  }
0xc3: {  	_ =	shalt  }
tec
execute0_lowered:
.L_overlay_start_1:
0x0: {  	(tag) =	ssettag $0x1  }
0x1: {  	s3 =	rddreg [dreg:$0x0];
	s1 =	srdreg.scid  }
0x2: {  	s0 =	stileid.u32;
	s5 =	rddreg [dreg:$0x1];
	s2 =	simm.s32 $0x0  }
0x3: {  	s9 =	simm.s32 $0x200;
	s10 =	simm.s32 $0x1200;
	s11 =	simm.s32 $0x100  }
0x4: {  	s12 =	simm.s32 $0x2200;
	s13 =	simm.s32 $0x180;
	s14 =	simm.s32 $0x3200  }
0x5: {  	s15 =	simm.s32 $0x1;
	s16 =	simm.s32 $0x4200;
	s17 =	simm.s32 $0x0  }
0x6: {  	s4 =	sand.u32 $0x1, s1;
	s6 =	sshll.u32 s0, $0x1;
	s1 =	rddreg [dreg:$0x2]  }
0x7: {  	[smem:$0x7FF] =	sst s2;
	s6 =	sor.u32 s4, s6;
	s4 =	ssub.s32 $0x2, s4  }
0x8: {  	_ =	strace $0x80000047;
	s7 =	sshll.u32 s6, $0x6;
	s8 =	sshrl.u32 s4, $0x1  }
0x9: {  	s6 =	sshll.u32 s6, $0xB;
	s7 =	sadd.s32 s7, s3;
	s3 =	sadd.s32 $0x27ACC00, s3  }
0xa: {  	s8 =	ssub.s32 s4, s8;
	s5 =	sadd.s32 s5, s6;
	s4 =	sadd.s32 $0x800, s7  }
0xb: {  	v0 =	vimm.f32 $0.0e+00;
	s6 =	smax.u32 s8, $0x1;
	s7 =	simm.s32 $0x2;
	s8 =	simm.s32 $0x80  }
.LBB2_1:
0xc: {  	s18 =	simm.s32 $0x4280  }
0xd: {  	[tilespmem:s18+$0xFFFFFF80] =	vst v0  }
0xe: {  	[tilespmem:s18+$0x70] =	vst v0  }
0xf: {  	[tilespmem:s18+$0x60] =	vst v0  }
0x10: {  	[tilespmem:s18+$0x50] =	vst v0  }
0x11: {  	[tilespmem:s18+$0x40] =	vst v0  }
0x12: {  	[tilespmem:s18+$0x30] =	vst v0  }
0x13: {  	[tilespmem:s18+$0x20] =	vst v0  }
0x14: {  	[tilespmem:s18+$0x10] =	vst v0  }
0x15: {  	[tilespmem:s18+$0x0] =	vst v0  }
0x16: {  	[tilespmem:s18+$0xFFFFFFF0] =	vst v0  }
0x17: {  	[tilespmem:s18+$0xFFFFFFE0] =	vst v0  }
0x18: {  	[tilespmem:s18+$0xFFFFFFD0] =	vst v0  }
0x19: {  	[tilespmem:s18+$0xFFFFFFC0] =	vst v0  }
0x1a: {  	[tilespmem:s18+$0xFFFFFFB0] =	vst v0  }
0x1b: {  	s19 =	simm.s32 $0x0;
	[tilespmem:s18+$0xFFFFFFA0] =	vst v0  }
.LBB2_2:
0x1c: {  	s19 =	sadd.s32 $0x8, s19;
	[tilespmem:s18+$0xFFFFFF90] =	vst v0;
	s18 =	sadd.s32 $0x100, s18  }
0x1d: {  	[tilespmem:s18+$0xFFFFFF80] =	vst v0;
	p0 =	slt.u32 s19, $0x1F8  }
0x1e: {  	[tilespmem:s18+$0x70] =	vst v0  }
0x1f: {  	[tilespmem:s18+$0x60] =	vst v0  }
0x20: {  	[tilespmem:s18+$0x50] =	vst v0  }
0x21: {  	[tilespmem:s18+$0x40] =	vst v0  }
0x22: {  	[tilespmem:s18+$0x30] =	vst v0  }
0x23: {  	[tilespmem:s18+$0x20] =	vst v0  }
0x24: {  	[tilespmem:s18+$0x10] =	vst v0  }
0x25: {  	[tilespmem:s18+$0x0] =	vst v0  }
0x26: {  	[tilespmem:s18+$0xFFFFFFF0] =	vst v0  }
.Ltmp0:
0x27: {  	[tilespmem:s18+$0xFFFFFFE0] =	vst v0;
	(pc) =	sbr.rel @p0 .LBB2_2-.Ltmp0, $4  }
0x28: {  	[tilespmem:s18+$0xFFFFFFD0] =	vst v0  }
0x29: {  	[tilespmem:s18+$0xFFFFFFC0] =	vst v0  }
0x2a: {  	[tilespmem:s18+$0xFFFFFFB0] =	vst v0  }
0x2b: {  	[tilespmem:s18+$0xFFFFFFA0] =	vst v0  }
0x2c: {  	[tilespmem:s18+$0xFFFFFF90] =	vst v0;
	s18 =	simm.s32 $0x0;
	s19 =	simm.s32 $0x0  }
.LBB2_4:
0x2d: {  	s20 =	sshll.u32 s19, $0xB  }
0x2e: {  	s20 =	sadd.s32 s20, s4  }
0x2f: {  	[tilespmem:s18], [sflag:$0x2] =	stream.linear.gather [hbm4b:s20+s18], $0x200, $0x38;
	[tilespmem:$0x8200] =	vst v63  }
0x30: {  	_ =	swait.ge [sflag:s7], $0x200  }
0x31: {  	[sflag:s7] =	ssyncset.done $0x0  }
0x32: {  	[sflag:s7] =	ssyncadd.s32 $0xFFFFFE00  }
0x33: {  	[tilespmem:s9], [sflag:$0x1] =	stream.indirect.gather [hbm4b:s3+s8], $0x20, s18, s8, $0xb8;
	[tilespmem:$0x8200] =	vst v63  }
0x34: {  	_ = 	snop  }
0x35: {  	[tilespmem:s10], [sflag:$0x1] =	stream.indirect.gather [hbm4b:s3+s8], $0x20, s8, s8, $0xb8;
	[tilespmem:$0x8200] =	vst v63  }
0x36: {  	_ = 	snop  }
0x37: {  	[tilespmem:s12], [sflag:$0x1] =	stream.indirect.gather [hbm4b:s3+s8], $0x20, s11, s8, $0xb8;
	[tilespmem:$0x8200] =	vst v63  }
0x38: {  	_ = 	snop  }
0x39: {  	[tilespmem:s14], [sflag:$0x1] =	stream.indirect.gather [hbm4b:s3+s8], $0x20, s13, s8, $0xb8;
	[tilespmem:$0x8200] =	vst v63  }
0x3a: {  	_ =	swait.ge [sflag:s15], $0x1000  }
0x3b: {  	[sflag:s15] =	ssyncset.done $0x0  }
0x3c: {  	[sflag:s15] =	ssyncadd.s32 $0xFFFFF000  }
0x3d: {  	_ =	swait.ge [sflag:s15], $0x1000  }
0x3e: {  	[sflag:s15] =	ssyncset.done $0x0  }
0x3f: {  	[sflag:s15] =	ssyncadd.s32 $0xFFFFF000  }
0x40: {  	_ =	swait.ge [sflag:s15], $0x1000  }
0x41: {  	[sflag:s15] =	ssyncset.done $0x0  }
0x42: {  	[sflag:s15] =	ssyncadd.s32 $0xFFFFF000  }
0x43: {  	_ =	swait.ge [sflag:s15], $0x1000  }
0x44: {  	[sflag:s15] =	ssyncset.done $0x0  }
0x45: {  	s20 =	simm.s32 $0x0;
	[sflag:s15] =	ssyncadd.s32 $0xFFFFF000  }
0x46: {  	v1 =	vld [tilespmem:s20+$0x2F0]  }
0x47: {  	v2 =	vld [tilespmem:s20+$0x200]  }
0x48: {  	v3 =	vld [tilespmem:s20+$0x210]  }
0x49: {  	v4 =	vld [tilespmem:s20+$0x220]  }
0x4a: {  	v5 =	vld [tilespmem:s20+$0x230]  }
0x4b: {  	v6 =	vld [tilespmem:s20+$0x240]  }
0x4c: {  	v7 =	vld [tilespmem:s20+$0x250]  }
0x4d: {  	v8 =	vld [tilespmem:s20+$0x260]  }
0x4e: {  	v9 =	vld [tilespmem:s20+$0x270]  }
0x4f: {  	v10 =	vld [tilespmem:s20+$0x280]  }
0x50: {  	v11 =	vld [tilespmem:s20+$0x290]  }
0x51: {  	v12 =	vld [tilespmem:s20+$0x2A0]  }
0x52: {  	v13 =	vld [tilespmem:s20+$0x2B0]  }
0x53: {  	v14 =	vld [tilespmem:s20+$0x2C0]  }
0x54: {  	v15 =	vld [tilespmem:s20+$0x2D0]  }
0x55: {  	[tilespmem:s20+$0x42F0] =	vst.add.f32.msk $0xffff, v1  }
0x56: {  	v1 =	vld [tilespmem:s20+$0x2E0]  }
0x57: {  	[tilespmem:s20+$0x4200] =	vst.add.f32.msk $0xffff, v2  }
0x58: {  	[tilespmem:s20+$0x4210] =	vst.add.f32.msk $0xffff, v3  }
0x59: {  	[tilespmem:s20+$0x4220] =	vst.add.f32.msk $0xffff, v4  }
0x5a: {  	[tilespmem:s20+$0x4230] =	vst.add.f32.msk $0xffff, v5  }
0x5b: {  	[tilespmem:s20+$0x4240] =	vst.add.f32.msk $0xffff, v6  }
0x5c: {  	[tilespmem:s20+$0x4250] =	vst.add.f32.msk $0xffff, v7  }
0x5d: {  	[tilespmem:s20+$0x4260] =	vst.add.f32.msk $0xffff, v8  }
0x5e: {  	[tilespmem:s20+$0x4270] =	vst.add.f32.msk $0xffff, v9  }
0x5f: {  	[tilespmem:s20+$0x4280] =	vst.add.f32.msk $0xffff, v10  }
0x60: {  	[tilespmem:s20+$0x4290] =	vst.add.f32.msk $0xffff, v11  }
0x61: {  	[tilespmem:s20+$0x42A0] =	vst.add.f32.msk $0xffff, v12  }
0x62: {  	[tilespmem:s20+$0x42B0] =	vst.add.f32.msk $0xffff, v13  }
0x63: {  	[tilespmem:s20+$0x42C0] =	vst.add.f32.msk $0xffff, v14  }
0x64: {  	s21 =	simm.s32 $0x0;
	s22 =	simm.s32 $0x400;
	[tilespmem:s20+$0x42D0] =	vst.add.f32.msk $0xffff, v15  }
.LBB2_5:
0x65: {  	s21 =	sadd.s32 $0x8, s21;
	[tilespmem:s20+$0x42E0] =	vst.add.f32.msk $0xffff, v1;
	s20 =	sshra.s32 s22, $0x2  }
0x66: {  	v1 =	vld [tilespmem:s20+$0x2F0];
	p0 =	slt.u32 s21, $0x1F8  }
0x67: {  	v2 =	vld [tilespmem:s20+$0x200]  }
0x68: {  	v3 =	vld [tilespmem:s20+$0x210]  }
0x69: {  	v4 =	vld [tilespmem:s20+$0x220]  }
0x6a: {  	v5 =	vld [tilespmem:s20+$0x230]  }
0x6b: {  	[tilespmem:s20+$0x42F0] =	vst.add.f32.msk $0xffff, v1  }
0x6c: {  	v6 =	vld [tilespmem:s20+$0x240]  }
0x6d: {  	v7 =	vld [tilespmem:s20+$0x250]  }
0x6e: {  	v8 =	vld [tilespmem:s20+$0x260]  }
0x6f: {  	v9 =	vld [tilespmem:s20+$0x270]  }
0x70: {  	v10 =	vld [tilespmem:s20+$0x280]  }
0x71: {  	v11 =	vld [tilespmem:s20+$0x290]  }
0x72: {  	v12 =	vld [tilespmem:s20+$0x2A0]  }
0x73: {  	v13 =	vld [tilespmem:s20+$0x2B0]  }
0x74: {  	v14 =	vld [tilespmem:s20+$0x2C0]  }
0x75: {  	v15 =	vld [tilespmem:s20+$0x2D0]  }
0x76: {  	v1 =	vld [tilespmem:s20+$0x2E0]  }
0x77: {  	[tilespmem:s20+$0x4200] =	vst.add.f32.msk $0xffff, v2  }
0x78: {  	[tilespmem:s20+$0x4210] =	vst.add.f32.msk $0xffff, v3  }
0x79: {  	[tilespmem:s20+$0x4220] =	vst.add.f32.msk $0xffff, v4  }
0x7a: {  	[tilespmem:s20+$0x4230] =	vst.add.f32.msk $0xffff, v5  }
0x7b: {  	[tilespmem:s20+$0x4240] =	vst.add.f32.msk $0xffff, v6  }
0x7c: {  	[tilespmem:s20+$0x4250] =	vst.add.f32.msk $0xffff, v7  }
0x7d: {  	[tilespmem:s20+$0x4260] =	vst.add.f32.msk $0xffff, v8  }
0x7e: {  	[tilespmem:s20+$0x4270] =	vst.add.f32.msk $0xffff, v9  }
0x7f: {  	[tilespmem:s20+$0x4280] =	vst.add.f32.msk $0xffff, v10  }
.Ltmp1:
0x80: {  	[tilespmem:s20+$0x4290] =	vst.add.f32.msk $0xffff, v11;
	(pc) =	sbr.rel @p0 .LBB2_5-.Ltmp1, $4  }
0x81: {  	[tilespmem:s20+$0x42A0] =	vst.add.f32.msk $0xffff, v12  }
0x82: {  	[tilespmem:s20+$0x42B0] =	vst.add.f32.msk $0xffff, v13  }
0x83: {  	[tilespmem:s20+$0x42C0] =	vst.add.f32.msk $0xffff, v14  }
0x84: {  	s22 =	sadd.s32 $0x400, s22;
	[tilespmem:s20+$0x42D0] =	vst.add.f32.msk $0xffff, v15  }
0x85: {  	s19 =	sadd.s32 $0x1, s19  }
0x86: {  	p0 =	sne.s32 s19, $0x1A  }
.Ltmp2:
0x87: {  	_ = 	snop;
	(pc) =	sbr.rel @p0 .LBB2_4-.Ltmp2, $2  }
0x88: {  	_ =	sdelay $0x2  }
0x89: {  	[tilespmem:s20+$0x42E0] =	vst.add.f32.msk $0xffff, v1  }
0x8a: {  	s17 =	sadd.s32 $0x1, s17  }
0x8b: {  	p0 =	sne.s32 s17, s6  }
.Ltmp3:
0x8c: {  	_ = 	snop;
	(pc) =	sbr.rel @p0 .LBB2_1-.Ltmp3, $4  }
0x8d: {  	[hbm4b:s5+s2] =	stream.linear.scatter [tilespmem:s16], [sflag:$0x2], $0x4000, $0x38;
	[tilespmem:$0x8200] =	vst v63  }
0x8e: {  	_ =	swait.ge [sflag:s7], $0x4000  }
0x8f: {  	[sflag:s7] =	ssyncset.done $0x0  }
0x90: {  	[sflag:s7] =	ssyncadd.s32 $0xFFFFC000  }
0x91: {  	_ =	sfence.sel $0x180000  }
0x92: {  	[bflag:$0x0] =	sbarrier.arrive $0xFFFF  }
0x93: {  	p0 =	sne.s32 s0, $0x0;
	_ =	strace $0x90000047  }
0x94: {  	s0 =	sadd.s32 @!p0 $0x100000, s1;
	[bflag:$0x2] =	sbarrier.arrive $0xFFFF  }
0x95: {  	[sflag:s0] =	ssyncadd.tile.s32 @!p0 $0x1;
	_ =	shalt  }
.Lfunc_end2:
_tile_overlayer_lowered:
.L_overlay_start_2:
0x96: {  	(tag) =	ssettag $0x2  }
0x97: {  	s0 =	rddreg [dreg:$0x0];
	s2 =	stileid.u32  }
0x98: {  	s1 =	rddreg [dreg:$0x1];
	p0 =	sne.s32 s2, $0x0  }
0x99: {  	s3 =	rddreg [dreg:$0x2];
	[bflag:$0x3] =	sbarrier.arrive $0xFFFF;
	s2 =	simm.s32 @!p0 $0x1C02  }
0x9a: {  	[timem:s3], [sflag:s2] =	dma.local @!p0 [hbm:s0], s1  }
0x9b: {  	s0 =	simm.s32 @!p0 $0x2  }
0x9c: {  	_ =	swait.ge @!p0 [sflag:s0], s1  }
0x9d: {  	s1 =	ssub.s32 @!p0 $0x0, s1;
	[sflag:s0] =	ssyncset.done @!p0 $0x0  }
0x9e: {  	[sflag:s0] =	ssyncadd.s32 @!p0 s1  }
0x9f: {  	[bflag:$0x3] =	sbarrier.arrive $0xFFFF  }
0xa0: {  	_ =	shalt  }

</sc_bundles>
